<compile_context>
chip_gen: v7x
topology: tpu7x:2x2x1
jax: 0.10.2.dev20260603
libtpu: 0.0.44.dev20260713+nightly
codegen_flags: <defaults>
</compile_context>

<pallas_src>
import functools
import math

import numpy as np
import jax
import jax.numpy as jnp
from jax import lax
from jax.experimental import pallas as pl
from jax.experimental.pallas import tpu as pltpu
from jax.experimental.pallas import tpu_sc as plsc

VOCAB = 100000
WORD_VEC = 300
WPAD = 384
HIDDEN = 768
MAX_POS = 512
EPS = 1e-12

B, L = 1024, 50
NTOK = B * L



def _make_pe(n_filters=HIDDEN, max_len=MAX_POS * 2):
    position = np.arange(0, max_len).astype(np.float32)[:, None]
    div_term = np.exp(
        np.arange(0, n_filters, 2).astype(np.float32) * -(math.log(10000.0) / n_filters)
    )
    pe = np.zeros((max_len, n_filters), dtype=np.float32)
    pe[:, 0::2] = np.sin(position * div_term)
    pe[:, 1::2] = np.cos(position * div_term)
    return pe



NC, NS = 2, 16
NW = NC * NS
PER_W = NTOK // NW
CHUNK = 80
NCH = PER_W // CHUNK


@functools.lru_cache(maxsize=None)
def _build_sc_gather():
    mesh = plsc.VectorSubcoreMesh(core_axis_name="c", subcore_axis_name="s")

    @functools.partial(
        pl.kernel,
        mesh=mesh,
        out_type=jax.ShapeDtypeStruct((NTOK, WPAD), jnp.float32),
        scratch_types=[
            pltpu.VMEM((NCH, CHUNK), jnp.int32),
            pltpu.VMEM((CHUNK, WPAD), jnp.float32),
            pltpu.SemaphoreType.DMA,
        ],
    )
    def _sc_gather(table_hbm, idx_hbm, out_hbm, idx_v, rows_v, sem):
        wid = lax.axis_index("s") * NC + lax.axis_index("c")
        base = wid * PER_W
        pltpu.sync_copy(idx_hbm.at[wid], idx_v)

        def body(j, carry):
            pltpu.async_copy(table_hbm.at[idx_v.at[j]], rows_v, sem).wait()
            row0 = pl.multiple_of(base + j * CHUNK, CHUNK)
            pltpu.sync_copy(rows_v, out_hbm.at[pl.ds(row0, CHUNK)])
            return carry

        lax.fori_loop(0, NCH, body, 0)

    return _sc_gather



RB = 2000
PAD_GRID = VOCAB // RB


def _pad_body(t_ref, o_ref):
    x = t_ref[...]
    o_ref[...] = jnp.concatenate(
        [x, jnp.zeros((RB, WPAD - WORD_VEC), jnp.float32)], axis=1
    )


def _tc_pad(word_table):
    return pl.pallas_call(
        _pad_body,
        grid=(PAD_GRID,),
        in_specs=[pl.BlockSpec((RB, WORD_VEC), lambda i: (i, 0))],
        out_specs=pl.BlockSpec((RB, WPAD), lambda i: (i, 0)),
        out_shape=jax.ShapeDtypeStruct((VOCAB, WPAD), jnp.float32),
        compiler_params=pltpu.CompilerParams(
            dimension_semantics=("parallel",),
        ),
    )(word_table)



BBB = 16
GRID = B // BBB
TB = L * BBB
INV_WV = 1.0 / WORD_VEC


def _ln(x, g, b):
    mu = jnp.mean(x, axis=-1, keepdims=True)
    xc = x - mu
    var = jnp.mean(xc * xc, axis=-1, keepdims=True)
    return xc * lax.rsqrt(var + EPS) * g + b


def _tc_body(we_ref, vf_ref, tm_ref, W2_ref, r_ref, c_ref, g2_ref,
             b2_ref, vg_ref, vb_ref, fg_ref, fb_ref, tt_ref, pe_ref, o_ref):
    x = we_ref[...].reshape(TB, WPAD)
    s1 = jnp.sum(x, axis=-1, keepdims=True)
    s2 = jnp.sum(x * x, axis=-1, keepdims=True)
    mu = s1 * INV_WV
    var = s2 * INV_WV - mu * mu
    rs = lax.rsqrt(var + EPS)
    xw = jnp.dot(x.astype(jnp.bfloat16), W2_ref[...],
                 preferred_element_type=jnp.float32)
    h = rs * (xw - mu * r_ref[...]) + c_ref[...]
    h = _ln(jnp.maximum(h, 0.0), g2_ref[...], b2_ref[...])
    h3 = h.reshape(L, BBB, HIDDEN)
    ve = _ln(vf_ref[...], vg_ref[...].reshape(1, 1, HIDDEN),
             vb_ref[...].reshape(1, 1, HIDDEN))
    tt0 = tt_ref[0:1, :].reshape(1, 1, HIDDEN)
    tt1 = tt_ref[1:2, :].reshape(1, 1, HIDDEN)
    tt2 = 2.0 * (tt0 + tm_ref[...] * (tt1 - tt0))
    emb = h3 + tt2 + ve + pe_ref[...]
    o_ref[...] = _ln(emb, fg_ref[...].reshape(1, 1, HIDDEN),
                     fb_ref[...].reshape(1, 1, HIDDEN))


_PE_BLOCK = _make_pe()[:L][:, None, :]


def _tc_fused(we3, vf, tm, W2, r, c, g2, b2, vg, vb, fg, fb, tt):
    col3 = lambda i: (0, i, 0)
    fixed = lambda i: (0, 0)
    fixed3 = lambda i: (0, 0, 0)
    return pl.pallas_call(
        _tc_body,
        grid=(GRID,),
        in_specs=[
            pl.BlockSpec((L, BBB, WPAD), col3),
            pl.BlockSpec((L, BBB, HIDDEN), col3),
            pl.BlockSpec((L, BBB, 1), col3),
            pl.BlockSpec((WPAD, HIDDEN), fixed),
            pl.BlockSpec((1, HIDDEN), fixed),
            pl.BlockSpec((1, HIDDEN), fixed),
            pl.BlockSpec((1, HIDDEN), fixed),
            pl.BlockSpec((1, HIDDEN), fixed),
            pl.BlockSpec((1, HIDDEN), fixed),
            pl.BlockSpec((1, HIDDEN), fixed),
            pl.BlockSpec((1, HIDDEN), fixed),
            pl.BlockSpec((1, HIDDEN), fixed),
            pl.BlockSpec((2, HIDDEN), fixed),
            pl.BlockSpec((L, 1, HIDDEN), fixed3),
        ],
        out_specs=pl.BlockSpec((L, BBB, HIDDEN), col3),
        out_shape=jax.ShapeDtypeStruct((L, B, HIDDEN), jnp.float32),
        compiler_params=pltpu.CompilerParams(
            dimension_semantics=("parallel",),
        ),
    )(we3, vf, tm, W2, r, c, g2, b2, vg, vb, fg, fb, tt,
      jnp.asarray(_PE_BLOCK))




def kernel(input_ids, video_features, token_type_ids, word_table, tt_table, W,
           b, ln1_g, ln1_b, ln2_g, ln2_b, vln_g, vln_b, lnf_g, lnf_b):
    idx = input_ids.T.reshape(NW, NCH, CHUNK).astype(jnp.int32)
    wt = _tc_pad(word_table)
    we3 = _build_sc_gather()(wt, idx).reshape(L, B, WPAD)

    W2 = jnp.pad(ln1_g[:, None] * W, ((0, WPAD - WORD_VEC), (0, 0))).astype(
        jnp.bfloat16)
    r = (ln1_g @ W).reshape(1, HIDDEN)
    c = (ln1_b @ W + b).reshape(1, HIDDEN)

    tm = token_type_ids.T.astype(jnp.float32)[..., None]
    vf = jnp.transpose(video_features, (1, 0, 2))
    out3 = _tc_fused(
        we3, vf, tm, W2, r, c,
        ln2_g.reshape(1, HIDDEN), ln2_b.reshape(1, HIDDEN),
        vln_g.reshape(1, HIDDEN), vln_b.reshape(1, HIDDEN),
        lnf_g.reshape(1, HIDDEN), lnf_b.reshape(1, HIDDEN),
        tt_table,
    )
    return jnp.transpose(out3, (1, 0, 2))

# --- scband reference (transcript-rebuilt; emitter-appended) ---
"""Pipeline reference for scband-embeddings-with-video-26688926777859 (READ-ONLY COPY).

The authoritative reference and input builder live on the scoring server;
editing this copy changes nothing except your own understanding.
"""

import jax, jax.numpy as jnp
import numpy as np
import math

VOCAB = 100000
WORD_VEC = 300
HIDDEN = 768
TYPE_VOCAB = 2
MAX_POS = 512
EPS = 1e-12


def layer_norm(x, g, b, eps=EPS):
    mu = jnp.mean(x, axis=-1, keepdims=True)
    var = jnp.mean((x - mu) ** 2, axis=-1, keepdims=True)
    return (x - mu) / jnp.sqrt(var + eps) * g + b


def make_pe(n_filters=HIDDEN, max_len=MAX_POS * 2):
    position = np.arange(0, max_len).astype(np.float32)[:, None]
    div_term = np.exp(np.arange(0, n_filters, 2).astype(np.float32) * -(math.log(10000.0) / n_filters))
    pe = np.zeros((max_len, n_filters), dtype=np.float32)
    pe[:, 0::2] = np.sin(position * div_term)
    pe[:, 1::2] = np.cos(position * div_term)
    return jnp.asarray(pe)


def setup_inputs(seed: int = 0) -> dict:
    key = jax.random.key(seed)
    ks = jax.random.split(key, 8)
    B, L = 1024, 50
    input_ids = jax.random.randint(ks[0], (B, L), 0, VOCAB, dtype=jnp.int64 if jax.config.jax_enable_x64 else jnp.int32)
    video_features = jax.random.normal(ks[1], (B, L, HIDDEN), dtype=jnp.float32)
    token_type_ids = jax.random.randint(ks[2], (B, L), 0, TYPE_VOCAB, dtype=jnp.int64 if jax.config.jax_enable_x64 else jnp.int32)
    word_table = jax.random.normal(ks[3], (VOCAB, WORD_VEC), dtype=jnp.float32) * 0.02
    word_table = word_table.at[0].set(0.0)  # padding_idx=0
    tt_table = jax.random.normal(ks[4], (TYPE_VOCAB, HIDDEN), dtype=jnp.float32) * 0.02
    W = jax.random.normal(ks[5], (WORD_VEC, HIDDEN), dtype=jnp.float32) * (1.0 / math.sqrt(WORD_VEC))
    b = jnp.zeros((HIDDEN,), dtype=jnp.float32)
    ln1_g = jnp.ones((WORD_VEC,), jnp.float32); ln1_b = jnp.zeros((WORD_VEC,), jnp.float32)
    ln2_g = jnp.ones((HIDDEN,), jnp.float32); ln2_b = jnp.zeros((HIDDEN,), jnp.float32)
    vln_g = jnp.ones((HIDDEN,), jnp.float32); vln_b = jnp.zeros((HIDDEN,), jnp.float32)
    lnf_g = jnp.ones((HIDDEN,), jnp.float32); lnf_b = jnp.zeros((HIDDEN,), jnp.float32)
    return {"input_ids": input_ids, "video_features": video_features, "token_type_ids": token_type_ids,
            "word_table": word_table, "tt_table": tt_table, "W": W, "b": b,
            "ln1_g": ln1_g, "ln1_b": ln1_b, "ln2_g": ln2_g, "ln2_b": ln2_b,
            "vln_g": vln_g, "vln_b": vln_b, "lnf_g": lnf_g, "lnf_b": lnf_b}


def reference(input_ids, video_features, token_type_ids, word_table, tt_table, W, b,
              ln1_g, ln1_b, ln2_g, ln2_b, vln_g, vln_b, lnf_g, lnf_b):
    # word_embeddings lookup (gather)
    we = jnp.take(word_table, input_ids, axis=0)
    # word_fc: LayerNorm -> Dropout(eval: identity) -> Linear -> ReLU -> LayerNorm
    we = layer_norm(we, ln1_g, ln1_b)
    we = jnp.maximum(we @ W + b, 0.0)
    we = layer_norm(we, ln2_g, ln2_b)
    # video_embeddings: LayerNorm
    ve = layer_norm(video_features, vln_g, vln_b)
    # token_type embedding lookup
    tt = jnp.take(tt_table, token_type_ids, axis=0)
    # faithful to in-place: words_embeddings += tt; emb = words + ve + tt  (tt added twice)
    words = we + tt
    emb = words + ve + tt
    # positional encoding
    pe = make_pe()
    L = emb.shape[-2]
    emb = emb + pe[:L, :]
    # final LayerNorm; dropout is identity in eval
    emb = layer_norm(emb, lnf_g, lnf_b)
    return emb

if __name__ == "__main__":
    import jax
    _d = setup_inputs()
    print(jax.jit(kernel)(*tuple(_d.values())))

</pallas_src>

<mosaic_0001>
#map = affine_map<(d0, d1) -> (0, 0)>
#map1 = affine_map<(d0, d1) -> (0, 0, 0)>
module attributes {stable_mosaic.version = 14 : i64} {
  func.func @_sc_gather(%arg0: i32, %arg1: i32, %arg2: memref<100000x384xf32, #tpu.memory_space<hbm>>, %arg3: memref<32x20x80xi32, #tpu.memory_space<hbm>>, %arg4: memref<51200x384xf32, #tpu.memory_space<hbm>>, %arg5: memref<20x80xi32, #tpu.memory_space<vmem>>, %arg6: memref<80x384xf32, #tpu.memory_space<vmem>>, %arg7: memref<!tpu.dma_semaphore, #tpu.memory_space<semaphore_mem>>) attributes {dimension_semantics = [#tpu.dimension_semantics<core_parallel>, #tpu.dimension_semantics<subcore_parallel>], iteration_bounds = array<i64: 2, 16>, scalar_prefetch = 0 : i64, scratch_operands = 3 : i64, tpu.core_type = #tpu.core_type<sc_vector_subcore>, window_params = [{transform_indices = #map}, {transform_indices = #map1}, {transform_indices = #map}]} {
    %mul3A = arith.constant 2 : i32
    %mul3A_0 = arith.muli %arg1, %mul3A : i32
    %add3A = arith.addi %mul3A_0, %arg0 : i32
    %mul3A_1 = arith.constant 1600 : i32
    %mul3A_2 = arith.muli %add3A, %mul3A_1 : i32
    "tpu.region"() ({
      %run_scoped3A = tpu.sem_alloc : memref<!tpu.dma_semaphore, #tpu.memory_space<semaphore_mem>>
      %dma_start3A = arith.constant 0 : i32
      %dma_start3A_8 = arith.constant 0 : i32
      %dma_start3A_9 = tpu.memref_slice %arg3[%add3A, %dma_start3A, %dma_start3A_8] : memref<32x20x80xi32, #tpu.memory_space<hbm>> -> memref<1x20x80xi32, #tpu.memory_space<hbm>>
      %dma_start3A_10 = tpu.memref_squeeze %dma_start3A_9 : memref<1x20x80xi32, #tpu.memory_space<hbm>> -> memref<20x80xi32, #tpu.memory_space<hbm>>
      %dma_start3A_11 = arith.constant 0 : i32
      %dma_start3A_12 = arith.constant 0 : i32
      %dma_start3A_13 = tpu.memref_slice %arg3[%add3A, %dma_start3A_11, %dma_start3A_12] : memref<32x20x80xi32, #tpu.memory_space<hbm>> -> memref<1x20x80xi32, #tpu.memory_space<hbm>>
      %dma_start3A_14 = tpu.memref_squeeze %dma_start3A_13 : memref<1x20x80xi32, #tpu.memory_space<hbm>> -> memref<20x80xi32, #tpu.memory_space<hbm>>
      tpu.enqueue_dma source(%dma_start3A_14 : memref<20x80xi32, #tpu.memory_space<hbm>>) target(%arg5 : memref<20x80xi32, #tpu.memory_space<vmem>>) target_semaphore(%run_scoped3A : memref<!tpu.dma_semaphore, #tpu.memory_space<semaphore_mem>>)
      %dma_wait3A = arith.constant 0 : i32
      %dma_wait3A_15 = arith.constant 0 : i32
      %dma_wait3A_16 = tpu.memref_slice %arg3[%add3A, %dma_wait3A, %dma_wait3A_15] : memref<32x20x80xi32, #tpu.memory_space<hbm>> -> memref<1x20x80xi32, #tpu.memory_space<hbm>>
      %dma_wait3A_17 = tpu.memref_squeeze %dma_wait3A_16 : memref<1x20x80xi32, #tpu.memory_space<hbm>> -> memref<20x80xi32, #tpu.memory_space<hbm>>
      %dma_wait3A_18 = arith.constant 0 : i32
      %dma_wait3A_19 = arith.constant 0 : i32
      %dma_wait3A_20 = tpu.memref_slice %arg3[%add3A, %dma_wait3A_18, %dma_wait3A_19] : memref<32x20x80xi32, #tpu.memory_space<hbm>> -> memref<1x20x80xi32, #tpu.memory_space<hbm>>
      %dma_wait3A_21 = tpu.memref_squeeze %dma_wait3A_20 : memref<1x20x80xi32, #tpu.memory_space<hbm>> -> memref<20x80xi32, #tpu.memory_space<hbm>>
      tpu.wait_dma2 semaphore(%run_scoped3A : memref<!tpu.dma_semaphore, #tpu.memory_space<semaphore_mem>>) src(%dma_wait3A_21 : memref<20x80xi32, #tpu.memory_space<hbm>>) dst(%arg5 : memref<20x80xi32, #tpu.memory_space<vmem>>)
      tpu.yield
    }) : () -> ()
    %scan3A = arith.constant 0 : i32
    %scan3A_3 = arith.constant 0 : i32
    %scan3A_4 = arith.constant 20 : i32
    %scan3A_5 = arith.addi %scan3A_3, %scan3A_4 : i32
    %scan3A_6 = arith.constant 1 : i32
    scf.for %scan3A_8 = %scan3A_3 to %scan3A_5 step %scan3A_6  : i32 {
      %dma_start3A = arith.constant 0 : i32
      %dma_start3A_9 = tpu.memref_slice %arg5[%scan3A_8, %dma_start3A] : memref<20x80xi32, #tpu.memory_space<vmem>> -> memref<1x80xi32, #tpu.memory_space<vmem>>
      %dma_start3A_10 = tpu.memref_squeeze %dma_start3A_9 : memref<1x80xi32, #tpu.memory_space<vmem>> -> memref<80xi32, #tpu.memory_space<vmem>>
      %dma_start3A_11 = arith.constant 0 : i32
      %dma_start3A_12 = arith.constant 0 : i32
      %dma_start3A_13 = tpu.memref_slice %arg2[%dma_start3A_11, %dma_start3A_12] : memref<100000x384xf32, #tpu.memory_space<hbm>> -> memref<100000x384xf32, #tpu.memory_space<hbm>>
      tpu.enqueue_indirect_dma source(%dma_start3A_13 : memref<100000x384xf32, #tpu.memory_space<hbm>>) target(%arg6 : memref<80x384xf32, #tpu.memory_space<vmem>>) offsets(%dma_start3A_10 : memref<80xi32, #tpu.memory_space<vmem>>) semaphore(%arg7 : memref<!tpu.dma_semaphore, #tpu.memory_space<semaphore_mem>>)
      %dma_wait3A = arith.constant 0 : i32
      %dma_wait3A_14 = tpu.memref_slice %arg5[%scan3A_8, %dma_wait3A] : memref<20x80xi32, #tpu.memory_space<vmem>> -> memref<1x80xi32, #tpu.memory_space<vmem>>
      %dma_wait3A_15 = tpu.memref_squeeze %dma_wait3A_14 : memref<1x80xi32, #tpu.memory_space<vmem>> -> memref<80xi32, #tpu.memory_space<vmem>>
      %dma_wait3A_16 = arith.constant 0 : i32
      %dma_wait3A_17 = arith.constant 0 : i32
      %dma_wait3A_18 = tpu.memref_slice %arg2[%dma_wait3A_16, %dma_wait3A_17] : memref<100000x384xf32, #tpu.memory_space<hbm>> -> memref<100000x384xf32, #tpu.memory_space<hbm>>
      tpu.wait_indirect_dma semaphore(%arg7 : memref<!tpu.dma_semaphore, #tpu.memory_space<semaphore_mem>>) src(%dma_wait3A_18 : memref<100000x384xf32, #tpu.memory_space<hbm>>) dst(%arg6 : memref<80x384xf32, #tpu.memory_space<vmem>>)
      %mul3A_19 = arith.constant 80 : i32
      %mul3A_20 = arith.muli %scan3A_8, %mul3A_19 : i32
      %add3A_21 = arith.addi %mul3A_2, %mul3A_20 : i32
      %multiple_of3A = tpu.assume_multiple %add3A_21, 80 : i32
      "tpu.region"() ({
        %run_scoped3A = tpu.sem_alloc : memref<!tpu.dma_semaphore, #tpu.memory_space<semaphore_mem>>
        %dma_start3A_22 = arith.constant 0 : i32
        %dma_start3A_23 = tpu.memref_slice %arg4[%multiple_of3A, %dma_start3A_22] : memref<51200x384xf32, #tpu.memory_space<hbm>> -> memref<80x384xf32, #tpu.memory_space<hbm>>
        %dma_start3A_24 = arith.constant 0 : i32
        %dma_start3A_25 = tpu.memref_slice %arg4[%multiple_of3A, %dma_start3A_24] : memref<51200x384xf32, #tpu.memory_space<hbm>> -> memref<80x384xf32, #tpu.memory_space<hbm>>
        tpu.enqueue_dma source(%arg6 : memref<80x384xf32, #tpu.memory_space<vmem>>) target(%dma_start3A_25 : memref<80x384xf32, #tpu.memory_space<hbm>>) target_semaphore(%run_scoped3A : memref<!tpu.dma_semaphore, #tpu.memory_space<semaphore_mem>>)
        %dma_wait3A_26 = arith.constant 0 : i32
        %dma_wait3A_27 = tpu.memref_slice %arg4[%multiple_of3A, %dma_wait3A_26] : memref<51200x384xf32, #tpu.memory_space<hbm>> -> memref<80x384xf32, #tpu.memory_space<hbm>>
        %dma_wait3A_28 = arith.constant 0 : i32
        %dma_wait3A_29 = tpu.memref_slice %arg4[%multiple_of3A, %dma_wait3A_28] : memref<51200x384xf32, #tpu.memory_space<hbm>> -> memref<80x384xf32, #tpu.memory_space<hbm>>
        tpu.wait_dma2 semaphore(%run_scoped3A : memref<!tpu.dma_semaphore, #tpu.memory_space<semaphore_mem>>) src(%arg6 : memref<80x384xf32, #tpu.memory_space<vmem>>) dst(%dma_wait3A_29 : memref<80x384xf32, #tpu.memory_space<hbm>>)
        tpu.yield
      }) : () -> ()
    }
    %scan3A_7 = arith.constant 20 : i32
    return
  }
}

module attributes {stable_mosaic.version = 14 : i64} {
  func.func @_pad_body(%arg0: i32, %arg1: memref<2000x300xf32, #tpu.memory_space<vmem>>, %arg2: memref<2000x384xf32, #tpu.memory_space<vmem>>) attributes {dimension_semantics = [#tpu.dimension_semantics<parallel>], iteration_bounds = array<i64: 50>, scalar_prefetch = 0 : i64, scratch_operands = 0 : i64, tpu.core_type = #tpu.core_type<tc>, window_params = [{transform_indices = @transform_0, window_bounds = array<i64: 2000, 300>}, {transform_indices = @transform_1, window_bounds = array<i64: 2000, 384>}]} {
    %get3A = arith.constant 0 : index
    %get3A_0 = arith.constant 0 : index
    %get3A_1 = vector.load %arg1[%get3A, %get3A_0] : memref<2000x300xf32, #tpu.memory_space<vmem>>, vector<2000x300xf32>
    %broadcast_in_dim3A = arith.constant 0.000000e+00 : f32
    %broadcast_in_dim3A_2 = vector.broadcast %broadcast_in_dim3A : f32 to vector<2000x84xf32>
    %concatenate3A = tpu.concatenate %get3A_1, %broadcast_in_dim3A_2 in 1 : vector<2000x300xf32>, vector<2000x84xf32> -> vector<2000x384xf32>
    %swap3A = arith.constant 0 : index
    %swap3A_3 = arith.constant 0 : index
    %swap3A_4 = vector.load %arg2[%swap3A, %swap3A_3] : memref<2000x384xf32, #tpu.memory_space<vmem>>, vector<2000x384xf32>
    tpu.vector_store %arg2[%swap3A, %swap3A_3], %concatenate3A {strides = array<i32>} : memref<2000x384xf32, #tpu.memory_space<vmem>>, vector<2000x384xf32>,
    return
  }
  func.func @transform_0(%arg0: i32) -> (i32, i32) {
    %c0_i32 = arith.constant 0 : i32
    %c0_i32_0 = arith.constant 0 : i32
    return %arg0, %c0_i32 : i32, i32
  }
  func.func @transform_1(%arg0: i32) -> (i32, i32) {
    %c0_i32 = arith.constant 0 : i32
    %c0_i32_0 = arith.constant 0 : i32
    return %arg0, %c0_i32 : i32, i32
  }
}

module attributes {stable_mosaic.version = 14 : i64} {
  func.func @_tc_body(%arg0: i32, %arg1: memref<50x16x384xf32, #tpu.memory_space<vmem>>, %arg2: memref<50x16x768xf32, #tpu.memory_space<vmem>>, %arg3: memref<50x16x1xf32, #tpu.memory_space<vmem>>, %arg4: memref<384x768xbf16, #tpu.memory_space<vmem>>, %arg5: memref<1x768xf32, #tpu.memory_space<vmem>>, %arg6: memref<1x768xf32, #tpu.memory_space<vmem>>, %arg7: memref<1x768xf32, #tpu.memory_space<vmem>>, %arg8: memref<1x768xf32, #tpu.memory_space<vmem>>, %arg9: memref<1x768xf32, #tpu.memory_space<vmem>>, %arg10: memref<1x768xf32, #tpu.memory_space<vmem>>, %arg11: memref<1x768xf32, #tpu.memory_space<vmem>>, %arg12: memref<1x768xf32, #tpu.memory_space<vmem>>, %arg13: memref<2x768xf32, #tpu.memory_space<vmem>>, %arg14: memref<50x1x768xf32, #tpu.memory_space<vmem>>, %arg15: memref<50x16x768xf32, #tpu.memory_space<vmem>>) attributes {dimension_semantics = [#tpu.dimension_semantics<parallel>], iteration_bounds = array<i64: 64>, scalar_prefetch = 0 : i64, scratch_operands = 0 : i64, tpu.core_type = #tpu.core_type<tc>, window_params = [{transform_indices = @transform_0, window_bounds = array<i64: 50, 16, 384>}, {transform_indices = @transform_1, window_bounds = array<i64: 50, 16, 768>}, {transform_indices = @transform_2, window_bounds = array<i64: 50, 16, 1>}, {pipeline_mode = #tpu.pipeline_mode<synchronous>, transform_indices = @transform_3, window_bounds = array<i64: 384, 768>}, {pipeline_mode = #tpu.pipeline_mode<synchronous>, transform_indices = @transform_4, window_bounds = array<i64: 1, 768>}, {pipeline_mode = #tpu.pipeline_mode<synchronous>, transform_indices = @transform_5, window_bounds = array<i64: 1, 768>}, {pipeline_mode = #tpu.pipeline_mode<synchronous>, transform_indices = @transform_6, window_bounds = array<i64: 1, 768>}, {pipeline_mode = #tpu.pipeline_mode<synchronous>, transform_indices = @transform_7, window_bounds = array<i64: 1, 768>}, {pipeline_mode = #tpu.pipeline_mode<synchronous>, transform_indices = @transform_8, window_bounds = array<i64: 1, 768>}, {pipeline_mode = #tpu.pipeline_mode<synchronous>, transform_indices = @transform_9, window_bounds = array<i64: 1, 768>}, {pipeline_mode = #tpu.pipeline_mode<synchronous>, transform_indices = @transform_10, window_bounds = array<i64: 1, 768>}, {pipeline_mode = #tpu.pipeline_mode<synchronous>, transform_indices = @transform_11, window_bounds = array<i64: 1, 768>}, {pipeline_mode = #tpu.pipeline_mode<synchronous>, transform_indices = @transform_12, window_bounds = array<i64: 2, 768>}, {pipeline_mode = #tpu.pipeline_mode<synchronous>, transform_indices = @transform_13, window_bounds = array<i64: 50, 1, 768>}, {transform_indices = @transform_14, window_bounds = array<i64: 50, 16, 768>}]} {
    %get3A = arith.constant 0 : index
    %get3A_0 = arith.constant 0 : index
    %get3A_1 = arith.constant 0 : index
    %get3A_2 = vector.load %arg1[%get3A, %get3A_0, %get3A_1] : memref<50x16x384xf32, #tpu.memory_space<vmem>>, vector<50x16x384xf32>
    %reshape3A = vector.shape_cast %get3A_2 : vector<50x16x384xf32> to vector<800x384xf32>
    %reduce_sum3A = arith.constant dense<0.000000e+00> : vector<800xf32>
    %reduce_sum3A_3 = vector.multi_reduction <add>, %reshape3A, %reduce_sum3A [1] : vector<800x384xf32> to vector<800xf32>
    %broadcast_in_dim3A = vector.shape_cast %reduce_sum3A_3 : vector<800xf32> to vector<800x1xf32>
    %mul3A = arith.mulf %reshape3A, %reshape3A : vector<800x384xf32>
    %reduce_sum3A_4 = arith.constant dense<0.000000e+00> : vector<800xf32>
    %reduce_sum3A_5 = vector.multi_reduction <add>, %mul3A, %reduce_sum3A_4 [1] : vector<800x384xf32> to vector<800xf32>
    %broadcast_in_dim3A_6 = vector.shape_cast %reduce_sum3A_5 : vector<800xf32> to vector<800x1xf32>
    %mul3A_7 = arith.constant 0.00333333341 : f32
    %mul3A_8 = vector.broadcast %mul3A_7 : f32 to vector<800x1xf32>
    %mul3A_9 = arith.mulf %broadcast_in_dim3A, %mul3A_8 : vector<800x1xf32>
    %mul3A_10 = arith.constant 0.00333333341 : f32
    %mul3A_11 = vector.broadcast %mul3A_10 : f32 to vector<800x1xf32>
    %mul3A_12 = arith.mulf %broadcast_in_dim3A_6, %mul3A_11 : vector<800x1xf32>
    %mul3A_13 = arith.mulf %mul3A_9, %mul3A_9 : vector<800x1xf32>
    %sub3A = arith.subf %mul3A_12, %mul3A_13 : vector<800x1xf32>
    %add3A = arith.constant 9.99999996E-13 : f32
    %add3A_14 = vector.broadcast %add3A : f32 to vector<800x1xf32>
    %add3A_15 = arith.addf %sub3A, %add3A_14 : vector<800x1xf32>
    %rsqrt3A = math.rsqrt %add3A_15 : vector<800x1xf32>
    %convert_element_type3A = arith.truncf %reshape3A : vector<800x384xf32> to vector<800x384xbf16>
    %get3A_16 = arith.constant 0 : index
    %get3A_17 = arith.constant 0 : index
    %get3A_18 = vector.load %arg4[%get3A_16, %get3A_17] : memref<384x768xbf16, #tpu.memory_space<vmem>>, vector<384x768xbf16>
    %dot_general3A = arith.constant dense<0.000000e+00> : vector<800x768xf32>
    %dot_general3A_19 = tpu.matmul %convert_element_type3A, %get3A_18, %dot_general3A {dimension_numbers = #tpu.dot_dimension_numbers<[1], [0], [0], [1], [0, 0, 1, 1], [], []>, transpose_lhs_hint = false} : vector<800x384xbf16>, vector<384x768xbf16>, vector<800x768xf32> -> vector<800x768xf32>
    %get3A_20 = arith.constant 0 : index
    %get3A_21 = arith.constant 0 : index
    %get3A_22 = vector.load %arg5[%get3A_20, %get3A_21] : memref<1x768xf32, #tpu.memory_space<vmem>>, vector<1x768xf32>
    %mul3A_23 = vector.broadcast %mul3A_9 : vector<800x1xf32> to vector<800x768xf32>
    %mul3A_24 = vector.broadcast %get3A_22 : vector<1x768xf32> to vector<800x768xf32>
    %mul3A_25 = arith.mulf %mul3A_23, %mul3A_24 : vector<800x768xf32>
    %sub3A_26 = arith.subf %dot_general3A_19, %mul3A_25 : vector<800x768xf32>
    %mul3A_27 = vector.broadcast %rsqrt3A : vector<800x1xf32> to vector<800x768xf32>
    %mul3A_28 = arith.mulf %mul3A_27, %sub3A_26 : vector<800x768xf32>
    %get3A_29 = arith.constant 0 : index
    %get3A_30 = arith.constant 0 : index
    %get3A_31 = vector.load %arg6[%get3A_29, %get3A_30] : memref<1x768xf32, #tpu.memory_space<vmem>>, vector<1x768xf32>
    %add3A_32 = vector.broadcast %get3A_31 : vector<1x768xf32> to vector<800x768xf32>
    %add3A_33 = arith.addf %mul3A_28, %add3A_32 : vector<800x768xf32>
    %max3A = arith.constant 0.000000e+00 : f32
    %max3A_34 = vector.broadcast %max3A : f32 to vector<800x768xf32>
    %max3A_35 = arith.maximumf %add3A_33, %max3A_34 : vector<800x768xf32>
    %get3A_36 = arith.constant 0 : index
    %get3A_37 = arith.constant 0 : index
    %get3A_38 = vector.load %arg7[%get3A_36, %get3A_37] : memref<1x768xf32, #tpu.memory_space<vmem>>, vector<1x768xf32>
    %get3A_39 = arith.constant 0 : index
    %get3A_40 = arith.constant 0 : index
    %get3A_41 = vector.load %arg8[%get3A_39, %get3A_40] : memref<1x768xf32, #tpu.memory_space<vmem>>, vector<1x768xf32>
    %reduce_sum3A_42 = arith.constant dense<0.000000e+00> : vector<800xf32>
    %reduce_sum3A_43 = vector.multi_reduction <add>, %max3A_35, %reduce_sum3A_42 [1] : vector<800x768xf32> to vector<800xf32>
    %broadcast_in_dim3A_44 = vector.shape_cast %reduce_sum3A_43 : vector<800xf32> to vector<800x1xf32>
    %div3A = arith.constant 7.680000e+02 : f32
    %div3A_45 = vector.broadcast %div3A : f32 to vector<800x1xf32>
    %div3A_46 = arith.divf %broadcast_in_dim3A_44, %div3A_45 : vector<800x1xf32>
    %sub3A_47 = vector.broadcast %div3A_46 : vector<800x1xf32> to vector<800x768xf32>
    %sub3A_48 = arith.subf %max3A_35, %sub3A_47 : vector<800x768xf32>
    %mul3A_49 = arith.mulf %sub3A_48, %sub3A_48 : vector<800x768xf32>
    %reduce_sum3A_50 = arith.constant dense<0.000000e+00> : vector<800xf32>
    %reduce_sum3A_51 = vector.multi_reduction <add>, %mul3A_49, %reduce_sum3A_50 [1] : vector<800x768xf32> to vector<800xf32>
    %broadcast_in_dim3A_52 = vector.shape_cast %reduce_sum3A_51 : vector<800xf32> to vector<800x1xf32>
    %div3A_53 = arith.constant 7.680000e+02 : f32
    %div3A_54 = vector.broadcast %div3A_53 : f32 to vector<800x1xf32>
    %div3A_55 = arith.divf %broadcast_in_dim3A_52, %div3A_54 : vector<800x1xf32>
    %add3A_56 = arith.constant 9.99999996E-13 : f32
    %add3A_57 = vector.broadcast %add3A_56 : f32 to vector<800x1xf32>
    %add3A_58 = arith.addf %div3A_55, %add3A_57 : vector<800x1xf32>
    %rsqrt3A_59 = math.rsqrt %add3A_58 : vector<800x1xf32>
    %mul3A_60 = vector.broadcast %rsqrt3A_59 : vector<800x1xf32> to vector<800x768xf32>
    %mul3A_61 = arith.mulf %sub3A_48, %mul3A_60 : vector<800x768xf32>
    %mul3A_62 = vector.broadcast %get3A_38 : vector<1x768xf32> to vector<800x768xf32>
    %mul3A_63 = arith.mulf %mul3A_61, %mul3A_62 : vector<800x768xf32>
    %add3A_64 = vector.broadcast %get3A_41 : vector<1x768xf32> to vector<800x768xf32>
    %add3A_65 = arith.addf %mul3A_63, %add3A_64 : vector<800x768xf32>
    %reshape3A_66 = vector.shape_cast %add3A_65 : vector<800x768xf32> to vector<50x16x768xf32>
    %get3A_67 = arith.constant 0 : index
    %get3A_68 = arith.constant 0 : index
    %get3A_69 = arith.constant 0 : index
    %get3A_70 = vector.load %arg2[%get3A_67, %get3A_68, %get3A_69] : memref<50x16x768xf32, #tpu.memory_space<vmem>>, vector<50x16x768xf32>
    %get3A_71 = arith.constant 0 : index
    %get3A_72 = arith.constant 0 : index
    %get3A_73 = vector.load %arg9[%get3A_71, %get3A_72] : memref<1x768xf32, #tpu.memory_space<vmem>>, vector<1x768xf32>
    %reshape3A_74 = vector.shape_cast %get3A_73 : vector<1x768xf32> to vector<1x1x768xf32>
    %get3A_75 = arith.constant 0 : index
    %get3A_76 = arith.constant 0 : index
    %get3A_77 = vector.load %arg10[%get3A_75, %get3A_76] : memref<1x768xf32, #tpu.memory_space<vmem>>, vector<1x768xf32>
    %reshape3A_78 = vector.shape_cast %get3A_77 : vector<1x768xf32> to vector<1x1x768xf32>
    %reduce_sum3A_79 = arith.constant dense<0.000000e+00> : vector<50x16xf32>
    %reduce_sum3A_80 = vector.multi_reduction <add>, %get3A_70, %reduce_sum3A_79 [2] : vector<50x16x768xf32> to vector<50x16xf32>
    %broadcast_in_dim3A_81 = vector.shape_cast %reduce_sum3A_80 : vector<50x16xf32> to vector<50x16x1xf32>
    %div3A_82 = arith.constant 7.680000e+02 : f32
    %div3A_83 = vector.broadcast %div3A_82 : f32 to vector<50x16x1xf32>
    %div3A_84 = arith.divf %broadcast_in_dim3A_81, %div3A_83 : vector<50x16x1xf32>
    %sub3A_85 = vector.broadcast %div3A_84 : vector<50x16x1xf32> to vector<50x16x768xf32>
    %sub3A_86 = arith.subf %get3A_70, %sub3A_85 : vector<50x16x768xf32>
    %mul3A_87 = arith.mulf %sub3A_86, %sub3A_86 : vector<50x16x768xf32>
    %reduce_sum3A_88 = arith.constant dense<0.000000e+00> : vector<50x16xf32>
    %reduce_sum3A_89 = vector.multi_reduction <add>, %mul3A_87, %reduce_sum3A_88 [2] : vector<50x16x768xf32> to vector<50x16xf32>
    %broadcast_in_dim3A_90 = vector.shape_cast %reduce_sum3A_89 : vector<50x16xf32> to vector<50x16x1xf32>
    %div3A_91 = arith.constant 7.680000e+02 : f32
    %div3A_92 = vector.broadcast %div3A_91 : f32 to vector<50x16x1xf32>
    %div3A_93 = arith.divf %broadcast_in_dim3A_90, %div3A_92 : vector<50x16x1xf32>
    %add3A_94 = arith.constant 9.99999996E-13 : f32
    %add3A_95 = vector.broadcast %add3A_94 : f32 to vector<50x16x1xf32>
    %add3A_96 = arith.addf %div3A_93, %add3A_95 : vector<50x16x1xf32>
    %rsqrt3A_97 = math.rsqrt %add3A_96 : vector<50x16x1xf32>
    %mul3A_98 = vector.broadcast %rsqrt3A_97 : vector<50x16x1xf32> to vector<50x16x768xf32>
    %mul3A_99 = arith.mulf %sub3A_86, %mul3A_98 : vector<50x16x768xf32>
    %mul3A_100 = vector.broadcast %reshape3A_74 : vector<1x1x768xf32> to vector<50x16x768xf32>
    %mul3A_101 = arith.mulf %mul3A_99, %mul3A_100 : vector<50x16x768xf32>
    %add3A_102 = vector.broadcast %reshape3A_78 : vector<1x1x768xf32> to vector<50x16x768xf32>
    %add3A_103 = arith.addf %mul3A_101, %add3A_102 : vector<50x16x768xf32>
    %get3A_104 = arith.constant 0 : index
    %get3A_105 = arith.constant 0 : index
    %get3A_106 = vector.load %arg13[%get3A_104, %get3A_105] : memref<2x768xf32, #tpu.memory_space<vmem>>, vector<1x768xf32>
    %reshape3A_107 = vector.shape_cast %get3A_106 : vector<1x768xf32> to vector<1x1x768xf32>
    %get3A_108 = arith.constant 1 : index
    %get3A_109 = arith.constant 0 : index
    %get3A_110 = vector.load %arg13[%get3A_108, %get3A_109] : memref<2x768xf32, #tpu.memory_space<vmem>>, vector<1x768xf32>
    %reshape3A_111 = vector.shape_cast %get3A_110 : vector<1x768xf32> to vector<1x1x768xf32>
    %get3A_112 = arith.constant 0 : index
    %get3A_113 = arith.constant 0 : index
    %get3A_114 = arith.constant 0 : index
    %get3A_115 = vector.load %arg3[%get3A_112, %get3A_113, %get3A_114] : memref<50x16x1xf32, #tpu.memory_space<vmem>>, vector<50x16x1xf32>
    %sub3A_116 = arith.subf %reshape3A_111, %reshape3A_107 : vector<1x1x768xf32>
    %mul3A_117 = vector.broadcast %get3A_115 : vector<50x16x1xf32> to vector<50x16x768xf32>
    %mul3A_118 = vector.broadcast %sub3A_116 : vector<1x1x768xf32> to vector<50x16x768xf32>
    %mul3A_119 = arith.mulf %mul3A_117, %mul3A_118 : vector<50x16x768xf32>
    %add3A_120 = vector.broadcast %reshape3A_107 : vector<1x1x768xf32> to vector<50x16x768xf32>
    %add3A_121 = arith.addf %add3A_120, %mul3A_119 : vector<50x16x768xf32>
    %mul3A_122 = arith.constant 2.000000e+00 : f32
    %mul3A_123 = vector.broadcast %mul3A_122 : f32 to vector<50x16x768xf32>
    %mul3A_124 = arith.mulf %mul3A_123, %add3A_121 : vector<50x16x768xf32>
    %add3A_125 = arith.addf %reshape3A_66, %mul3A_124 : vector<50x16x768xf32>
    %add3A_126 = arith.addf %add3A_125, %add3A_103 : vector<50x16x768xf32>
    %get3A_127 = arith.constant 0 : index
    %get3A_128 = arith.constant 0 : index
    %get3A_129 = arith.constant 0 : index
    %get3A_130 = vector.load %arg14[%get3A_127, %get3A_128, %get3A_129] : memref<50x1x768xf32, #tpu.memory_space<vmem>>, vector<50x1x768xf32>
    %add3A_131 = vector.broadcast %get3A_130 : vector<50x1x768xf32> to vector<50x16x768xf32>
    %add3A_132 = arith.addf %add3A_126, %add3A_131 : vector<50x16x768xf32>
    %get3A_133 = arith.constant 0 : index
    %get3A_134 = arith.constant 0 : index
    %get3A_135 = vector.load %arg11[%get3A_133, %get3A_134] : memref<1x768xf32, #tpu.memory_space<vmem>>, vector<1x768xf32>
    %reshape3A_136 = vector.shape_cast %get3A_135 : vector<1x768xf32> to vector<1x1x768xf32>
    %get3A_137 = arith.constant 0 : index
    %get3A_138 = arith.constant 0 : index
    %get3A_139 = vector.load %arg12[%get3A_137, %get3A_138] : memref<1x768xf32, #tpu.memory_space<vmem>>, vector<1x768xf32>
    %reshape3A_140 = vector.shape_cast %get3A_139 : vector<1x768xf32> to vector<1x1x768xf32>
    %reduce_sum3A_141 = arith.constant dense<0.000000e+00> : vector<50x16xf32>
    %reduce_sum3A_142 = vector.multi_reduction <add>, %add3A_132, %reduce_sum3A_141 [2] : vector<50x16x768xf32> to vector<50x16xf32>
    %broadcast_in_dim3A_143 = vector.shape_cast %reduce_sum3A_142 : vector<50x16xf32> to vector<50x16x1xf32>
    %div3A_144 = arith.constant 7.680000e+02 : f32
    %div3A_145 = vector.broadcast %div3A_144 : f32 to vector<50x16x1xf32>
    %div3A_146 = arith.divf %broadcast_in_dim3A_143, %div3A_145 : vector<50x16x1xf32>
    %sub3A_147 = vector.broadcast %div3A_146 : vector<50x16x1xf32> to vector<50x16x768xf32>
    %sub3A_148 = arith.subf %add3A_132, %sub3A_147 : vector<50x16x768xf32>
    %mul3A_149 = arith.mulf %sub3A_148, %sub3A_148 : vector<50x16x768xf32>
    %reduce_sum3A_150 = arith.constant dense<0.000000e+00> : vector<50x16xf32>
    %reduce_sum3A_151 = vector.multi_reduction <add>, %mul3A_149, %reduce_sum3A_150 [2] : vector<50x16x768xf32> to vector<50x16xf32>
    %broadcast_in_dim3A_152 = vector.shape_cast %reduce_sum3A_151 : vector<50x16xf32> to vector<50x16x1xf32>
    %div3A_153 = arith.constant 7.680000e+02 : f32
    %div3A_154 = vector.broadcast %div3A_153 : f32 to vector<50x16x1xf32>
    %div3A_155 = arith.divf %broadcast_in_dim3A_152, %div3A_154 : vector<50x16x1xf32>
    %add3A_156 = arith.constant 9.99999996E-13 : f32
    %add3A_157 = vector.broadcast %add3A_156 : f32 to vector<50x16x1xf32>
    %add3A_158 = arith.addf %div3A_155, %add3A_157 : vector<50x16x1xf32>
    %rsqrt3A_159 = math.rsqrt %add3A_158 : vector<50x16x1xf32>
    %mul3A_160 = vector.broadcast %rsqrt3A_159 : vector<50x16x1xf32> to vector<50x16x768xf32>
    %mul3A_161 = arith.mulf %sub3A_148, %mul3A_160 : vector<50x16x768xf32>
    %mul3A_162 = vector.broadcast %reshape3A_136 : vector<1x1x768xf32> to vector<50x16x768xf32>
    %mul3A_163 = arith.mulf %mul3A_161, %mul3A_162 : vector<50x16x768xf32>
    %add3A_164 = vector.broadcast %reshape3A_140 : vector<1x1x768xf32> to vector<50x16x768xf32>
    %add3A_165 = arith.addf %mul3A_163, %add3A_164 : vector<50x16x768xf32>
    %swap3A = arith.constant 0 : index
    %swap3A_166 = arith.constant 0 : index
    %swap3A_167 = arith.constant 0 : index
    %swap3A_168 = vector.load %arg15[%swap3A, %swap3A_166, %swap3A_167] : memref<50x16x768xf32, #tpu.memory_space<vmem>>, vector<50x16x768xf32>
    tpu.vector_store %arg15[%swap3A, %swap3A_166, %swap3A_167], %add3A_165 {strides = array<i32>} : memref<50x16x768xf32, #tpu.memory_space<vmem>>, vector<50x16x768xf32>,
    return
  }
  func.func @transform_0(%arg0: i32) -> (i32, i32, i32) {
    %c0_i32 = arith.constant 0 : i32
    %c0_i32_0 = arith.constant 0 : i32
    %c0_i32_1 = arith.constant 0 : i32
    return %c0_i32, %arg0, %c0_i32_0 : i32, i32, i32
  }
  func.func @transform_1(%arg0: i32) -> (i32, i32, i32) {
    %c0_i32 = arith.constant 0 : i32
    %c0_i32_0 = arith.constant 0 : i32
    %c0_i32_1 = arith.constant 0 : i32
    return %c0_i32, %arg0, %c0_i32_0 : i32, i32, i32
  }
  func.func @transform_2(%arg0: i32) -> (i32, i32, i32) {
    %c0_i32 = arith.constant 0 : i32
    %c0_i32_0 = arith.constant 0 : i32
    %c0_i32_1 = arith.constant 0 : i32
    return %c0_i32, %arg0, %c0_i32_0 : i32, i32, i32
  }
  func.func @transform_3(%arg0: i32) -> (i32, i32) {
    %c0_i32 = arith.constant 0 : i32
    %c0_i32_0 = arith.constant 0 : i32
    %c0_i32_1 = arith.constant 0 : i32
    return %c0_i32, %c0_i32_0 : i32, i32
  }
  func.func @transform_4(%arg0: i32) -> (i32, i32) {
    %c0_i32 = arith.constant 0 : i32
    %c0_i32_0 = arith.constant 0 : i32
    %c0_i32_1 = arith.constant 0 : i32
    return %c0_i32, %c0_i32_0 : i32, i32
  }
  func.func @transform_5(%arg0: i32) -> (i32, i32) {
    %c0_i32 = arith.constant 0 : i32
    %c0_i32_0 = arith.constant 0 : i32
    %c0_i32_1 = arith.constant 0 : i32
    return %c0_i32, %c0_i32_0 : i32, i32
  }
  func.func @transform_6(%arg0: i32) -> (i32, i32) {
    %c0_i32 = arith.constant 0 : i32
    %c0_i32_0 = arith.constant 0 : i32
    %c0_i32_1 = arith.constant 0 : i32
    return %c0_i32, %c0_i32_0 : i32, i32
  }
  func.func @transform_7(%arg0: i32) -> (i32, i32) {
    %c0_i32 = arith.constant 0 : i32
    %c0_i32_0 = arith.constant 0 : i32
    %c0_i32_1 = arith.constant 0 : i32
    return %c0_i32, %c0_i32_0 : i32, i32
  }
  func.func @transform_8(%arg0: i32) -> (i32, i32) {
    %c0_i32 = arith.constant 0 : i32
    %c0_i32_0 = arith.constant 0 : i32
    %c0_i32_1 = arith.constant 0 : i32
    return %c0_i32, %c0_i32_0 : i32, i32
  }
  func.func @transform_9(%arg0: i32) -> (i32, i32) {
    %c0_i32 = arith.constant 0 : i32
    %c0_i32_0 = arith.constant 0 : i32
    %c0_i32_1 = arith.constant 0 : i32
    return %c0_i32, %c0_i32_0 : i32, i32
  }
  func.func @transform_10(%arg0: i32) -> (i32, i32) {
    %c0_i32 = arith.constant 0 : i32
    %c0_i32_0 = arith.constant 0 : i32
    %c0_i32_1 = arith.constant 0 : i32
    return %c0_i32, %c0_i32_0 : i32, i32
  }
  func.func @transform_11(%arg0: i32) -> (i32, i32) {
    %c0_i32 = arith.constant 0 : i32
    %c0_i32_0 = arith.constant 0 : i32
    %c0_i32_1 = arith.constant 0 : i32
    return %c0_i32, %c0_i32_0 : i32, i32
  }
  func.func @transform_12(%arg0: i32) -> (i32, i32) {
    %c0_i32 = arith.constant 0 : i32
    %c0_i32_0 = arith.constant 0 : i32
    %c0_i32_1 = arith.constant 0 : i32
    return %c0_i32, %c0_i32_0 : i32, i32
  }
  func.func @transform_13(%arg0: i32) -> (i32, i32, i32) {
    %c0_i32 = arith.constant 0 : i32
    %c0_i32_0 = arith.constant 0 : i32
    %c0_i32_1 = arith.constant 0 : i32
    %c0_i32_2 = arith.constant 0 : i32
    return %c0_i32, %c0_i32_0, %c0_i32_1 : i32, i32, i32
  }
  func.func @transform_14(%arg0: i32) -> (i32, i32, i32) {
    %c0_i32 = arith.constant 0 : i32
    %c0_i32_0 = arith.constant 0 : i32
    %c0_i32_1 = arith.constant 0 : i32
    return %c0_i32, %arg0, %c0_i32_0 : i32, i32, i32
  }
}

</mosaic_0001>

<sc_bundles>
// kernel: kernel.5.cloned.1.call-start
scs
__scs_entry_jumppad:
0x0: {  	(pc) =	sbr.rel $0x88, $3  }
0x1: {  	(tag) =	ssettag $0x0;
	lr =	simm.s32 $0x1  }
0x2: {  	[smem:$0x3F92] =	sst lr;
	_ =	strace $0xD0000000  }
0x3: {  	_ = 	snop  }
0x4: {  	_ = 	snop  }
0x5: {  	_ = 	snop  }
0x6: {  	_ = 	snop  }
0x7: {  	_ = 	snop  }
__scs_overlays_trampoline_lowered:
0x8: {  	[smem:$0x3FA1] =	sst s0  }
0x9: {  	[smem:$0x3FA2] =	sst s1  }
0xa: {  	[smem:$0x3FA3] =	sst s2  }
0xb: {  	[smem:$0x3FA4] =	sst s3  }
0xc: {  	[smem:$0x3FA5] =	sst s4  }
0xd: {  	[smem:$0x3FA6] =	sst s5  }
0xe: {  	[smem:$0x3FA7] =	sst s6  }
0xf: {  	[smem:$0x3FA8] =	sst s7  }
0x10: {  	[smem:$0x3FA9] =	sst s8  }
0x11: {  	[smem:$0x3FAA] =	sst s9;
	s0 =	simm.s32 @!p0 $0x0  }
0x12: {  	s1 =	sld [smem:$0x3F90];
	s0 =	simm.s32 @p0 $0x1  }
0x13: {  	[smem:$0x3FAB] =	sst s0;
	s0 =	simm.s32 @!p1 $0x0  }
0x14: {  	s2 =	sld [smem:$0x3F8F];
	s0 =	simm.s32 @p1 $0x1  }
0x15: {  	[smem:$0x3FAC] =	sst s0;
	s0 =	simm.s32 @!p2 $0x0  }
0x16: {  	s3 =	sld [smem:$0x3FDB];
	s0 =	simm.s32 @p2 $0x1  }
0x17: {  	s4 =	simm.s32 $0x1BF5;
	[smem:$0x3FAE] =	sst s0  }
0x18: {  	s0 =	sld [smem:$0x3F91];
	_ =	swait.ge [sflag:s4], $0x0  }
0x19: {  	s7 =	sld [smem:$0x3F92]  }
0x1a: {  	s8 =	sadd.s32 $0xFFFFE003, lr  }
0x1b: {  	s9 =	sadd.s32 $0xFFFFFEF7, lr;
	s5 =	simm.s32 $0xFFFFFFFF;
	p2 =	slt.u32 s8, $0xFFFFF086  }
0x1c: {  	p1 =	slt.u32 s9, $0xF7A;
	s5 =	simm.s32 @!p2 $0x0  }
0x1d: {  	s5 =	simm.s32 @p1 $0x1;
	p0 =	seq.s32 s7, s2  }
0x1e: {  	s7 =	smul.u32 @!p0 $0xF7A, s2;
	p2 =	seq.s32 @!p0 s5, $0x0  }
0x1f: {  	s9 =	smul.u32 $0xF7A, s1;
	s8 =	simm.s32 @!p0 $0x1BF5;
	p2 =	por !p2, p0  }
0x20: {  	[sflag:s8] =	ssyncset.s32 @!p0 $0xFFFFF086;
	s6 =	sadd.s32 @!p0 s3, s7;
	s7 =	simm.s32 @!p0 $0x108  }
0x21: {  	s3 =	sadd.s32 s3, s9;
	s6 =	sadd.s32 @!p0 $0x88, s6;
	s7 =	simm.s32 @p2 $0x1082  }
0x22: {  	[simem:s7], [sflag:s8] =	dma.local @!p0 [hbm:s6], $0xF7A  }
0x23: {  	s9 =	sor.u32 $0xD0000000, s2;
	s6 =	simm.s32 $0x108;
	_ =	swait.ge @!p0 [sflag:s8], $0x0  }
0x24: {  	s3 =	sadd.s32 $0x88, s3;
	s6 =	simm.s32 @!p1 $0x1082;
	[sflag:s4] =	ssyncset.s32 $0xFFFFF086  }
0x25: {  	[simem:s6], [sflag:s4] =	dma.local [hbm:s3], $0xF7A  }
0x26: {  	[smem:$0x3F92] =	sst s1;
	(tag) =	ssettag s2;
	_ =	strace s9  }
0x27: {  	s1 =	sld [smem:$0x3FA2]  }
0x28: {  	s2 =	sld [smem:$0x3FA3]  }
0x29: {  	s4 =	sld [smem:$0x3FA5]  }
0x2a: {  	p0 =	seq.s32 s5, $0x0;
	s5 =	sld [smem:$0x3FA6]  }
0x2b: {  	s6 =	sld [smem:$0x3FA7]  }
0x2c: {  	s7 =	sld [smem:$0x3FA8]  }
0x2d: {  	s3 =	simm.s32 $0x108;
	s8 =	sld [smem:$0x3FA9]  }
0x2e: {  	s3 =	simm.s32 @!p0 $0x1082;
	s9 =	sld [smem:$0x3FAA]  }
0x2f: {  	lr =	sadd.s32 s0, s3;
	s0 =	sld [smem:$0x3FA1]  }
0x30: {  	s3 =	sld [smem:$0x3FA4]  }
0x31: {  	[smem:$0x3FAD] =	sst s10  }
0x32: {  	s10 =	sld [smem:$0x3FAB];
	_ =	sdelay $0x3  }
0x33: {  	p0 =	seq.s32 s10, $0x1;
	s10 =	sld [smem:$0x3FAD];
	_ =	sdelay $0x3  }
0x34: {  	[smem:$0x3FAD] =	sst s10  }
0x35: {  	s10 =	sld [smem:$0x3FAC];
	_ =	sdelay $0x3  }
0x36: {  	p1 =	seq.s32 s10, $0x1;
	s10 =	sld [smem:$0x3FAD];
	_ =	sdelay $0x3  }
0x37: {  	[smem:$0x3FAD] =	sst s10  }
0x38: {  	s10 =	sld [smem:$0x3FAE]  }
0x39: {  	_ = 	snop;
	(pc) =	sbr.ind lr, $3  }
0x3a: {  	_ = 	snop  }
0x3b: {  	_ = 	snop  }
0x3c: {  	p2 =	seq.s32 s10, $0x1;
	s10 =	sld [smem:$0x3FAD]  }
0x3d: {  	_ =	shalt  }
0x3e: {  	_ =	shalt  }
0x3f: {  	_ =	shalt  }
0x40: {  	_ =	shalt  }
0x41: {  	_ =	shalt  }
0x42: {  	_ =	shalt  }
0x43: {  	_ =	shalt  }
0x44: {  	_ =	shalt  }
0x45: {  	_ =	shalt  }
0x46: {  	_ =	shalt  }
0x47: {  	_ =	shalt  }
0x48: {  	_ =	shalt  }
0x49: {  	_ =	shalt  }
0x4a: {  	_ =	shalt  }
0x4b: {  	_ =	shalt  }
0x4c: {  	_ =	shalt  }
0x4d: {  	_ =	shalt  }
0x4e: {  	_ =	shalt  }
0x4f: {  	_ =	shalt  }
0x50: {  	_ =	shalt  }
0x51: {  	_ =	shalt  }
0x52: {  	_ =	shalt  }
0x53: {  	_ =	shalt  }
0x54: {  	_ =	shalt  }
0x55: {  	_ =	shalt  }
0x56: {  	_ =	shalt  }
0x57: {  	_ =	shalt  }
0x58: {  	_ =	shalt  }
0x59: {  	_ =	shalt  }
0x5a: {  	_ =	shalt  }
0x5b: {  	_ =	shalt  }
0x5c: {  	_ =	shalt  }
0x5d: {  	_ =	shalt  }
0x5e: {  	_ =	shalt  }
0x5f: {  	_ =	shalt  }
0x60: {  	_ =	shalt  }
0x61: {  	_ =	shalt  }
0x62: {  	_ =	shalt  }
0x63: {  	_ =	shalt  }
0x64: {  	_ =	shalt  }
0x65: {  	_ =	shalt  }
0x66: {  	_ =	shalt  }
0x67: {  	_ =	shalt  }
0x68: {  	_ =	shalt  }
0x69: {  	_ =	shalt  }
0x6a: {  	_ =	shalt  }
0x6b: {  	_ =	shalt  }
0x6c: {  	_ =	shalt  }
0x6d: {  	_ =	shalt  }
0x6e: {  	_ =	shalt  }
0x6f: {  	_ =	shalt  }
0x70: {  	_ =	shalt  }
0x71: {  	_ =	shalt  }
0x72: {  	_ =	shalt  }
0x73: {  	_ =	shalt  }
0x74: {  	_ =	shalt  }
0x75: {  	_ =	shalt  }
0x76: {  	_ =	shalt  }
0x77: {  	_ =	shalt  }
0x78: {  	_ =	shalt  }
0x79: {  	_ =	shalt  }
0x7a: {  	_ =	shalt  }
0x7b: {  	_ =	shalt  }
0x7c: {  	_ =	shalt  }
0x7d: {  	_ =	shalt  }
0x7e: {  	_ =	shalt  }
0x7f: {  	_ =	shalt  }
0x80: {  	_ =	shalt  }
0x81: {  	_ =	shalt  }
0x82: {  	_ =	shalt  }
0x83: {  	_ =	shalt  }
0x84: {  	_ =	shalt  }
0x85: {  	_ =	shalt  }
0x86: {  	_ =	shalt  }
0x87: {  	_ =	shalt  }
.Lfunc_end0:
.L_simem_size_0:
called_computation_lowered:
.L_overlay_start_0:
0x88: {  	s2 =	sld [smem:$0x3FD9]  }
0x89: {  	s3 =	sld [smem:$0x3FFE];
	_ =	sdelay $0x1  }
0x8a: {  	s1 =	srdreg.scid  }
0x8b: {  	s0 =	sand.u32 $0x1, s1  }
0x8c: {  	s17 =	sshll.u32 s0, $0xA;
	s2 =	sadd.s32 s3, s2  }
0x8d: {  	s2 =	sadd.s32 s2, s17  }
0x8e: {  	[smem:$0x3FB9] =	sst s2  }
0x8f: {  	_ = 	snop  }
0x90: {  	s2 =	sld [smem:$0x3FD0];
	(tm) =	ssettm $0x1  }
0x91: {  	s18 =	sld [smem:$0x3FFB];
	_ =	sdelay $0x3  }
0x92: {  	_ =	strace s18  }
0x93: {  	s3 =	sld [smem:$0x3FFC];
	_ =	sdelay $0x3  }
0x94: {  	_ =	strace s3  }
0x95: {  	s3 =	sld [smem:$0x3FFD];
	_ =	sdelay $0x3  }
0x96: {  	_ =	strace s3  }
0x97: {  	_ =	strace $0x8FFFFFFF  }
0x98: {  	s19 =	sld [smem:$0x3FDB];
	_ =	sdelay $0x1  }
0x99: {  	s4 =	simm.s32 $_scs_section_size  }
0x9a: {  	s5 =	simm.s32 $_size__tile_overlayer_lowered;
	s6 =	simm.s32 $_tile_overlayer_lowered  }
0x9b: {  	s22 =	simm.s32 $0x1BFF;
	s21 =	sshll.u32 s6, $0x1;
	s3 =	sadd.s32 s4, s19  }
0x9c: {  	s7 =	simm.s32 $0x0;
	s20 =	sshll.u32 s5, $0x1;
	s5 =	sadd.s32 s21, s3  }
0x9d: {  	[timem:s7], [sflag:s22] =	dma.local [hbm:s5], s20  }
0x9e: {  	_ =	swait.ge [sflag:s22], s20  }
0x9f: {  	s4 =	ssub.s32 $0x0, s20;
	[sflag:s22] =	ssyncset.done $0x0  }
0xa0: {  	[sflag:s22] =	ssyncadd.s32 s4;
	_ =	sdelay $0x1  }
0xa1: {  	s23 =	simm.s32 $0x1B8B  }
0xa2: {  	_ =	swait.ge [sflag:s23], $0x1  }
0xa3: {  	[sflag:s23] =	ssyncset.done $0x0  }
0xa4: {  	s25 =	simm.s32 $0x1B8E;
	s24 =	sld [smem:$0x3FFE];
	[sflag:s23] =	ssyncadd.s32 $0xFFFFFFFF  }
0xa5: {  	s26 =	simm.s32 $execute0_lowered;
	[smem:$0x3FD2] =	sst s25  }
0xa6: {  	s5 =	sshll.u32 s26, $0x1;
	_ =	strace $0x80000046;
	[dreg:$0x1] =	wrdreg $0xFFFFFFFF  }
0xa7: {  	s28 =	simm.s32 $_size_execute0_lowered;
	s3 =	sadd.s32 s3, s5;
	[dreg:$0x0] =	wrdreg $0x0  }
0xa8: {  	s5 =	sshll.u32 s28, $0x1;
	[dreg:$0x2] =	wrdreg s3  }
0xa9: {  	[dreg:$0x3] =	wrdreg s5  }
0xaa: {  	[dreg:$0x4] =	wrdreg $0xC0  }
0xab: {  	_ =	task [dreg:s7], $0x5FFFF  }
0xac: {  	[dreg:$0x1] =	wrdreg $0xFFFFFFFF  }
0xad: {  	[dreg:$0x0] =	wrdreg $0x60  }
0xae: {  	[dreg:$0x2] =	wrdreg s24  }
0xaf: {  	[dreg:$0x3] =	wrdreg s2  }
0xb0: {  	[dreg:$0x4] =	wrdreg $0x9  }
0xb1: {  	_ =	task.clear_ibuf [dreg:s7], $0x5FFFF;
	_ =	strace $0x90000046  }
0xb2: {  	s29 =	simm.s32 $0x9;
	_ =	strace $0x80000048  }
0xb3: {  	_ =	swait.ge [sflag:s29], $0x1  }
0xb4: {  	[sflag:s29] =	ssyncadd.s32 $0xFFFFFFFF  }
0xb5: {  	_ =	strace $0x90000048  }
0xb6: {  	_ =	sfence  }
0xb7: {  	s30 =	sld [smem:$0x0];
	_ =	sdelay $0x2  }
0xb8: {  	s31 =	sshll.u32 s1, $0xD;
	s1 =	sshrl.u32 s1, $0x2  }
0xb9: {  	s3 =	sand.u32 $0x4000, s31;
	s1 =	sadd.s32 s1, s30  }
0xba: {  	s0 =	sor.u32 s3, s0;
	s1 =	sshll.u32 s1, $0x11  }
0xbb: {  	s0 =	sor.u32 s1, s0  }
0xbc: {  	s0 =	sadd.s32 $0x8F2B, s0  }
0xbd: {  	[sflag:s0] =	ssyncadd.remote.s32 $0x1  }
0xbe: {  	_ =	sfence.sel $0xFFFF  }
0xbf: {  	[dreg:$0x0] =	wrdreg $0xFFFFFFFF;
	(pc) =	sbr.abs _section_cstart, $3  }
0xc0: {  	[dreg:$0x1] =	wrdreg $0xFFFFFFFF  }
0xc1: {  	_ =	task.clear_ibuf [dreg:s7], $0x2FFFF;
	_ =	strace $0x9FFFFFFF  }
0xc2: {  	(tm) =	ssettm $0x7FFFFFFF  }
0xc3: {  	_ =	shalt  }
tec
execute0_lowered:
.L_overlay_start_1:
0x0: {  	(tag) =	ssettag $0x1  }
0x1: {  	s1 =	srdreg.scid;
	s5 =	rddreg [dreg:$0x0]  }
0x2: {  	s0 =	stileid.u32;
	s4 =	rddreg [dreg:$0x1]  }
0x3: {  	s9 =	simm.s32 $0x1400;
	s10 =	simm.s32 $0x1800;
	s11 =	simm.s32 $0x2000  }
0x4: {  	s12 =	simm.s32 $0x2400;
	s13 =	simm.s32 $0x2C00;
	s14 =	simm.s32 $0x3000  }
0x5: {  	s15 =	simm.s32 $0x3800;
	s16 =	simm.s32 $0x3C00;
	s17 =	simm.s32 $0x4400  }
0x6: {  	s18 =	simm.s32 $0x4800;
	s19 =	simm.s32 $0x5000;
	s20 =	simm.s32 $0x5400  }
0x7: {  	s21 =	simm.s32 $0x5C00;
	s22 =	simm.s32 $0x6000;
	s23 =	simm.s32 $0x6800  }
0x8: {  	s24 =	simm.s32 $0x6C00;
	s1 =	sand.u32 $0x1, s1;
	s2 =	smul.u32 $0xC80, s0  }
0x9: {  	s25 =	simm.s32 $0x7400;
	s28 =	simm.s32 $0x8000;
	s3 =	smul.u32 $0x640, s1  }
0xa: {  	s29 =	simm.s32 $0x1;
	s30 =	simm.s32 $0x0;
	s6 =	sshll.u32 s0, $0x1  }
0xb: {  	s26 =	sor.u32 s1, s6;
	s1 =	ssub.s32 $0x2, s1;
	s2 =	sadd.s32 s3, s2  }
0xc: {  	s6 =	smul.u32 $0x180, s26;
	s8 =	sshrl.u32 s1, $0x1;
	s3 =	sshrl.u32 s2, $0x3  }
0xd: {  	s26 =	simm.s32 $0x7800;
	s1 =	ssub.s32 s1, s8;
	s7 =	smul.u32 $0x180, s3  }
0xe: {  	s8 =	simm.s32 $0xC00;
	s2 =	simm.s32 $0x0;
	s4 =	sadd.s32 s4, s6  }
0xf: {  	v2 =	vlaneseq.u32;
	[smem:$0x7FF] =	sst s2;
	s3 =	sadd.s32 $0x1C00, s5;
	s7 =	sadd.s32 s7, s5  }
0x10: {  	vm0 =	vmmov $0xffff;
	vm1 =	vmmov $0xff;
	v1 =	vshrl.u32 v2, $0x3;
	s6 =	smax.u32 s1, $0x1;
	_ =	strace $0x80000047;
	s31 =	sadd.s32 $0x495A00, s7  }
0x11: {  	v0 =	vand.u32 $0x7, v2;
	v2 =	vor.u32 $0x8, v2;
	v1 =	vmul.u32 $0x8, v1;
	s5 =	sadd.s32 $0x1D00, s5;
	s7 =	simm.s32 $0x2;
	[dreg:$0x3] =	wrdreg s31  }
.LBB2_1:
0x12: {  	[tilespmem:s2], [sflag:$0x2] =	stream.linear.gather [hbm4b:s4+s2], $0xA00, $0x38;
	[tilespmem:$0x8400] =	vst v63  }
0x13: {  	_ =	swait.ge [sflag:s7], $0xA00  }
0x14: {  	[sflag:s7] =	ssyncset.done $0x0  }
0x15: {  	s31 =	simm.s32 $0x20;
	s1 =	simm.s32 $0x0;
	[sflag:s7] =	ssyncadd.s32 $0xFFFFF600  }
.LBB2_2:
0x16: {  	v3 =	vld [tilespmem:s31+$0xFFFFFFE0];
	_ =	sdelay $0x4  }
0x17: {  	v4 =	vshrl.u32 v3, $0x3  }
0x18: {  	v4 =	vmul.u32 $0x18, v4  }
0x19: {  	v3 =	vand.u32 $0x7, v3  }
0x1a: {  	v3 =	vor.u32 v3, v4  }
0x1b: {  	v4 =	vperm.xlane v3, v0;
	_ =	sdelay $0x1  }
0x1c: {  	v4 =	vadd.s32 v1, v4;
	_ =	sdelay $0x1  }
0x1d: {  	v3 =	vperm.xlane v3, v2;
	_ =	sdelay $0x1  }
0x1e: {  	v3 =	vadd.s32 v1, v3  }
0x1f: {  	[tilespmem:s8], [sflag:$0x1] =	stream.indirect_vreg.gather [hbm4b:s3+s2], $0x80, v4, vm0, $0xb8;
	[tilespmem:$0x8400] =	vst v63  }
0x20: {  	_ = 	snop  }
0x21: {  	[tilespmem:s9], [sflag:$0x1] =	stream.indirect_vreg.gather [hbm4b:s5+s2], $0x80, v4, vm1, $0xb8;
	[tilespmem:$0x8400] =	vst v63  }
0x22: {  	_ = 	snop  }
0x23: {  	[tilespmem:s10], [sflag:$0x1] =	stream.indirect_vreg.gather [hbm4b:s3+s2], $0x80, v3, vm0, $0xb8;
	[tilespmem:$0x8400] =	vst v63  }
0x24: {  	_ = 	snop  }
0x25: {  	[tilespmem:s11], [sflag:$0x1] =	stream.indirect_vreg.gather [hbm4b:s5+s2], $0x80, v3, vm1, $0xb8;
	[tilespmem:$0x8400] =	vst v63  }
0x26: {  	v3 =	vld [tilespmem:s31+$0xFFFFFFF0];
	_ =	sdelay $0x4  }
0x27: {  	v60 =	vshrl.u32 v3, $0x3  }
0x28: {  	v4 =	vmul.u32 $0x18, v60  }
0x29: {  	v3 =	vand.u32 $0x7, v3  }
0x2a: {  	v3 =	vor.u32 v3, v4  }
0x2b: {  	v4 =	vperm.xlane v3, v0;
	_ =	sdelay $0x1  }
0x2c: {  	v4 =	vadd.s32 v1, v4;
	_ =	sdelay $0x1  }
0x2d: {  	v3 =	vperm.xlane v3, v2;
	_ =	sdelay $0x1  }
0x2e: {  	v3 =	vadd.s32 v1, v3  }
0x2f: {  	[tilespmem:s12], [sflag:$0x1] =	stream.indirect_vreg.gather [hbm4b:s3+s2], $0x80, v4, vm0, $0xb8;
	[tilespmem:$0x8400] =	vst v63  }
0x30: {  	_ = 	snop  }
0x31: {  	[tilespmem:s13], [sflag:$0x1] =	stream.indirect_vreg.gather [hbm4b:s5+s2], $0x80, v4, vm1, $0xb8;
	[tilespmem:$0x8400] =	vst v63  }
0x32: {  	_ = 	snop  }
0x33: {  	[tilespmem:s14], [sflag:$0x1] =	stream.indirect_vreg.gather [hbm4b:s3+s2], $0x80, v3, vm0, $0xb8;
	[tilespmem:$0x8400] =	vst v63  }
0x34: {  	_ = 	snop  }
0x35: {  	[tilespmem:s15], [sflag:$0x1] =	stream.indirect_vreg.gather [hbm4b:s5+s2], $0x80, v3, vm1, $0xb8;
	[tilespmem:$0x8400] =	vst v63  }
0x36: {  	v3 =	vld [tilespmem:s31+$0x0];
	_ =	sdelay $0x4  }
0x37: {  	v61 =	vshrl.u32 v3, $0x3  }
0x38: {  	v4 =	vmul.u32 $0x18, v61  }
0x39: {  	v3 =	vand.u32 $0x7, v3  }
0x3a: {  	v3 =	vor.u32 v3, v4  }
0x3b: {  	v4 =	vperm.xlane v3, v0;
	_ =	sdelay $0x1  }
0x3c: {  	v4 =	vadd.s32 v1, v4;
	_ =	sdelay $0x1  }
0x3d: {  	v3 =	vperm.xlane v3, v2;
	_ =	sdelay $0x1  }
0x3e: {  	v3 =	vadd.s32 v1, v3  }
0x3f: {  	[tilespmem:s16], [sflag:$0x1] =	stream.indirect_vreg.gather [hbm4b:s3+s2], $0x80, v4, vm0, $0xb8;
	[tilespmem:$0x8400] =	vst v63  }
0x40: {  	_ = 	snop  }
0x41: {  	[tilespmem:s17], [sflag:$0x1] =	stream.indirect_vreg.gather [hbm4b:s5+s2], $0x80, v4, vm1, $0xb8;
	[tilespmem:$0x8400] =	vst v63  }
0x42: {  	_ = 	snop  }
0x43: {  	[tilespmem:s18], [sflag:$0x1] =	stream.indirect_vreg.gather [hbm4b:s3+s2], $0x80, v3, vm0, $0xb8;
	[tilespmem:$0x8400] =	vst v63  }
0x44: {  	_ = 	snop  }
0x45: {  	[tilespmem:s19], [sflag:$0x1] =	stream.indirect_vreg.gather [hbm4b:s5+s2], $0x80, v3, vm1, $0xb8;
	[tilespmem:$0x8400] =	vst v63  }
0x46: {  	v3 =	vld [tilespmem:s31+$0x10];
	_ =	sdelay $0x4  }
0x47: {  	v62 =	vshrl.u32 v3, $0x3  }
0x48: {  	v4 =	vmul.u32 $0x18, v62  }
0x49: {  	v3 =	vand.u32 $0x7, v3  }
0x4a: {  	v3 =	vor.u32 v3, v4  }
0x4b: {  	v4 =	vperm.xlane v3, v0;
	_ =	sdelay $0x1  }
0x4c: {  	v4 =	vadd.s32 v1, v4;
	_ =	sdelay $0x1  }
0x4d: {  	v3 =	vperm.xlane v3, v2;
	_ =	sdelay $0x1  }
0x4e: {  	v3 =	vadd.s32 v1, v3  }
0x4f: {  	[tilespmem:s20], [sflag:$0x1] =	stream.indirect_vreg.gather [hbm4b:s3+s2], $0x80, v4, vm0, $0xb8;
	[tilespmem:$0x8400] =	vst v63  }
0x50: {  	_ = 	snop  }
0x51: {  	[tilespmem:s21], [sflag:$0x1] =	stream.indirect_vreg.gather [hbm4b:s5+s2], $0x80, v4, vm1, $0xb8;
	[tilespmem:$0x8400] =	vst v63  }
0x52: {  	_ = 	snop  }
0x53: {  	[tilespmem:s22], [sflag:$0x1] =	stream.indirect_vreg.gather [hbm4b:s3+s2], $0x80, v3, vm0, $0xb8;
	[tilespmem:$0x8400] =	vst v63  }
0x54: {  	_ = 	snop  }
0x55: {  	[tilespmem:s23], [sflag:$0x1] =	stream.indirect_vreg.gather [hbm4b:s5+s2], $0x80, v3, vm1, $0xb8;
	[tilespmem:$0x8400] =	vst v63  }
0x56: {  	v3 =	vld [tilespmem:s31+$0x20];
	_ =	sdelay $0x4  }
0x57: {  	v63 =	vshrl.u32 v3, $0x3  }
0x58: {  	v4 =	vmul.u32 $0x18, v63  }
0x59: {  	v3 =	vand.u32 $0x7, v3  }
0x5a: {  	v3 =	vor.u32 v3, v4  }
0x5b: {  	v4 =	vperm.xlane v3, v0;
	_ =	sdelay $0x1  }
0x5c: {  	v4 =	vadd.s32 v1, v4;
	_ =	sdelay $0x1  }
0x5d: {  	v3 =	vperm.xlane v3, v2;
	_ =	sdelay $0x1  }
0x5e: {  	v3 =	vadd.s32 v1, v3  }
0x5f: {  	[tilespmem:s24], [sflag:$0x1] =	stream.indirect_vreg.gather [hbm4b:s3+s2], $0x80, v4, vm0, $0xb8;
	[tilespmem:$0x8400] =	vst v63  }
0x60: {  	_ = 	snop  }
0x61: {  	[tilespmem:s25], [sflag:$0x1] =	stream.indirect_vreg.gather [hbm4b:s5+s2], $0x80, v4, vm1, $0xb8;
	[tilespmem:$0x8400] =	vst v63  }
0x62: {  	_ = 	snop  }
0x63: {  	[tilespmem:s26], [sflag:$0x1] =	stream.indirect_vreg.gather [hbm4b:s3+s2], $0x80, v3, vm0, $0xb8;
	[tilespmem:$0x8400] =	vst v63  }
0x64: {  	_ = 	snop  }
0x65: {  	[tilespmem:s28], [sflag:$0x1] =	stream.indirect_vreg.gather [hbm4b:s5+s2], $0x80, v3, vm1, $0xb8;
	[tilespmem:$0x8400] =	vst v63  }
0x66: {  	_ =	swait.ge [sflag:s29], $0x7800  }
0x67: {  	p0 =	sne.s32 s1, $0x11D00;
	s0 =	rddreg [dreg:$0x3];
	[sflag:s29] =	ssyncset.done $0x0  }
.Ltmp0:
0x68: {  	[sflag:s29] =	ssyncadd.s32 $0xFFFF8800;
	s0 =	sadd.s32 s1, s0;
	(pc) =	sbr.rel @p0 .LBB2_2-.Ltmp0, $4  }
0x69: {  	[hbm4b:s0+s2] =	stream.linear.scatter [tilespmem:s8], [sflag:$0x2], $0x7800, $0x38;
	[tilespmem:$0x8400] =	vst v63  }
0x6a: {  	_ =	swait.ge [sflag:s7], $0x7800  }
0x6b: {  	[sflag:s7] =	ssyncset.done $0x0  }
0x6c: {  	s31 =	sadd.s32 $0x80, s31;
	s1 =	sadd.s32 $0xF00, s1;
	[sflag:s7] =	ssyncadd.s32 $0xFFFF8800  }
0x6d: {  	s30 =	sadd.s32 $0x1, s30  }
0x6e: {  	p0 =	sne.s32 s30, s6  }
.Ltmp1:
0x6f: {  	_ = 	snop;
	(pc) =	sbr.rel @p0 .LBB2_1-.Ltmp1, $1  }
0x70: {  	_ =	sdelay $0x3  }
0x71: {  	_ =	sfence.sel $0x180000  }
0x72: {  	[bflag:$0x0] =	sbarrier.arrive $0xFFFF  }
0x73: {  	_ =	strace $0x90000047  }
0x74: {  	s0 =	stileid.u32;
	[bflag:$0x2] =	sbarrier.arrive $0xFFFF  }
0x75: {  	p0 =	sne.s32 s0, $0x0;
	s0 =	rddreg [dreg:$0x2]  }
0x76: {  	s0 =	sadd.s32 @!p0 $0x100000, s0  }
0x77: {  	[sflag:s0] =	ssyncadd.tile.s32 @!p0 $0x1;
	_ =	shalt  }
.Lfunc_end2:
_tile_overlayer_lowered:
.L_overlay_start_2:
0x78: {  	(tag) =	ssettag $0x2  }
0x79: {  	s0 =	rddreg [dreg:$0x0];
	s2 =	stileid.u32  }
0x7a: {  	s1 =	rddreg [dreg:$0x1];
	p0 =	sne.s32 s2, $0x0  }
0x7b: {  	s3 =	rddreg [dreg:$0x2];
	[bflag:$0x3] =	sbarrier.arrive $0xFFFF;
	s2 =	simm.s32 @!p0 $0x1C02  }
0x7c: {  	[timem:s3], [sflag:s2] =	dma.local @!p0 [hbm:s0], s1  }
0x7d: {  	s0 =	simm.s32 @!p0 $0x2  }
0x7e: {  	_ =	swait.ge @!p0 [sflag:s0], s1  }
0x7f: {  	s1 =	ssub.s32 @!p0 $0x0, s1;
	[sflag:s0] =	ssyncset.done @!p0 $0x0  }
0x80: {  	[sflag:s0] =	ssyncadd.s32 @!p0 s1  }
0x81: {  	[bflag:$0x3] =	sbarrier.arrive $0xFFFF  }
0x82: {  	_ =	shalt  }

</sc_bundles>
